<compile_context>
chip_gen: v7x
topology: tpu7x:2x2x1
jax: 0.10.2.dev20260603
libtpu: 0.0.44.dev20260713+nightly
codegen_flags: <defaults>
</compile_context>

<pallas_src>
import functools

import jax
import jax.numpy as jnp
from jax import lax
from jax.experimental import pallas as pl
from jax.experimental.pallas import tpu as pltpu
from jax.experimental.pallas import tpu_sc as plsc

LANES = 16
NW = 32
N = 100000
B_PER_W = 3136
NV = B_PER_W // LANES
N_SPECIES = 119

_mesh = plsc.VectorSubcoreMesh(core_axis_name="c", subcore_axis_name="s")


@functools.partial(
    pl.kernel,
    mesh=_mesh,
    out_type=jax.ShapeDtypeStruct((N,), jnp.float32),
    scratch_types=[
        pltpu.VMEM((B_PER_W,), jnp.float32),
        pltpu.VMEM((B_PER_W,), jnp.int32),
        pltpu.VMEM((B_PER_W,), jnp.float32),
        pltpu.VMEM((N_SPECIES,), jnp.float32),
        pltpu.VMEM((N_SPECIES,), jnp.float32),
        pltpu.SemaphoreType.DMA,
    ],
    compiler_params=pltpu.CompilerParams(needs_layout_passes=False),
)
def _scale_shift_sc(x_hbm, z_hbm, scale_hbm, shift_hbm, out_hbm,
                    x_v, z_v, o_v, sc_v, sh_v, sem):
    wid = lax.axis_index("s") * 2 + lax.axis_index("c")
    base = jnp.minimum(wid * B_PER_W, N - B_PER_W)

    H = B_PER_W // 2
    pltpu.async_copy(z_hbm.at[pl.ds(base, H)], z_v.at[pl.ds(0, H)], sem)
    pltpu.async_copy(x_hbm.at[pl.ds(base, H)], x_v.at[pl.ds(0, H)], sem)
    pltpu.async_copy(scale_hbm, sc_v, sem)
    pltpu.async_copy(shift_hbm, sh_v, sem)
    pltpu.async_copy(z_hbm.at[pl.ds(base + H, H)], z_v.at[pl.ds(H, H)], sem)
    pltpu.async_copy(x_hbm.at[pl.ds(base + H, H)], x_v.at[pl.ds(H, H)], sem)

    pltpu.make_async_copy(z_hbm.at[pl.ds(base, H)], z_v.at[pl.ds(0, H)], sem).wait()
    pltpu.make_async_copy(x_hbm.at[pl.ds(base, H)], x_v.at[pl.ds(0, H)], sem).wait()
    pltpu.make_async_copy(scale_hbm, sc_v, sem).wait()
    pltpu.make_async_copy(shift_hbm, sh_v, sem).wait()

    @plsc.parallel_loop(0, NV // 2, unroll=8)
    def _(i):
        off = i * LANES
        z = z_v[pl.ds(off, LANES)]
        xv = x_v[pl.ds(off, LANES)]
        s = plsc.load_gather(sc_v, [z])
        t = plsc.load_gather(sh_v, [z])
        o_v[pl.ds(off, LANES)] = s * xv + t

    out_sem = sem
    pltpu.async_copy(o_v.at[pl.ds(0, H)], out_hbm.at[pl.ds(base, H)], out_sem)
    pltpu.make_async_copy(z_hbm.at[pl.ds(base + H, H)], z_v.at[pl.ds(H, H)], sem).wait()
    pltpu.make_async_copy(x_hbm.at[pl.ds(base + H, H)], x_v.at[pl.ds(H, H)], sem).wait()

    @plsc.parallel_loop(NV // 2, NV, unroll=8)
    def _(i):
        off = i * LANES
        z = z_v[pl.ds(off, LANES)]
        xv = x_v[pl.ds(off, LANES)]
        s = plsc.load_gather(sc_v, [z])
        t = plsc.load_gather(sh_v, [z])
        o_v[pl.ds(off, LANES)] = s * xv + t

    pltpu.async_copy(o_v.at[pl.ds(H, H)], out_hbm.at[pl.ds(base + H, H)], out_sem)
    pltpu.make_async_copy(o_v.at[pl.ds(0, H)], out_hbm.at[pl.ds(base, H)], out_sem).wait()
    pltpu.make_async_copy(o_v.at[pl.ds(H, H)], out_hbm.at[pl.ds(base + H, H)], out_sem).wait()


def kernel(x, Z, scale, shift):
    out = _scale_shift_sc(x.reshape(-1), Z.astype(jnp.int32),
                          scale.reshape(-1), shift.reshape(-1))
    return out.reshape(x.shape)

# --- scband reference (transcript-rebuilt; emitter-appended) ---
"""Pipeline reference for scband-per-element-scale-shift-31593779429637 (READ-ONLY COPY).

The authoritative reference and input builder live on the scoring server;
editing this copy changes nothing except your own understanding.
"""

import jax, jax.numpy as jnp
import numpy as np

N_ATOMS = 100000
N_SPECIES = 119

def setup_inputs(seed: int = 0) -> dict:
    key = jax.random.key(seed)
    k1, k2 = jax.random.split(key)
    x = jax.random.normal(k1, (N_ATOMS, 1), dtype=jnp.float32)
    Z = jax.random.randint(k2, (N_ATOMS,), 0, N_SPECIES, dtype=jnp.int64 if jax.config.jax_enable_x64 else jnp.int32)
    # learned parameters per module __init__: scale init Constant(1.0), shift init Constant(zeros)
    scale = jnp.ones((N_SPECIES, 1), dtype=jnp.float32)
    shift = jnp.zeros((N_SPECIES, 1), dtype=jnp.float32)
    return {"x": x, "Z": Z, "scale": scale, "shift": shift}

def reference(x, Z, scale, shift):
    # out = scale[Z] * x + shift[Z]  (gather of per-species params, broadcast over feature dim)
    out = jnp.take(scale, Z, axis=0) * x + jnp.take(shift, Z, axis=0)
    return out

if __name__ == "__main__":
    import jax
    _d = setup_inputs()
    print(jax.jit(kernel)(*tuple(_d.values())))

</pallas_src>

<mosaic_0001>
#map = affine_map<(d0, d1) -> (0)>
module attributes {stable_mosaic.version = 14 : i64} {
  func.func @_scale_shift_sc(%arg0: i32, %arg1: i32, %arg2: memref<100000xf32, #tpu.memory_space<hbm>>, %arg3: memref<100000xi32, #tpu.memory_space<hbm>>, %arg4: memref<119xf32, #tpu.memory_space<hbm>>, %arg5: memref<119xf32, #tpu.memory_space<hbm>>, %arg6: memref<100000xf32, #tpu.memory_space<hbm>>, %arg7: memref<3136xf32, #tpu.memory_space<vmem>>, %arg8: memref<3136xi32, #tpu.memory_space<vmem>>, %arg9: memref<3136xf32, #tpu.memory_space<vmem>>, %arg10: memref<119xf32, #tpu.memory_space<vmem>>, %arg11: memref<119xf32, #tpu.memory_space<vmem>>, %arg12: memref<!tpu.dma_semaphore, #tpu.memory_space<semaphore_mem>>) attributes {dimension_semantics = [#tpu.dimension_semantics<core_parallel>, #tpu.dimension_semantics<subcore_parallel>], iteration_bounds = array<i64: 2, 16>, scalar_prefetch = 0 : i64, scratch_operands = 6 : i64, tpu.core_type = #tpu.core_type<sc_vector_subcore>, window_params = [{transform_indices = #map}, {transform_indices = #map}, {transform_indices = #map}, {transform_indices = #map}, {transform_indices = #map}]} {
    %mul3A = arith.constant 2 : i32
    %mul3A_0 = arith.muli %arg1, %mul3A : i32
    %add3A = arith.addi %mul3A_0, %arg0 : i32
    %mul3A_1 = arith.constant 3136 : i32
    %mul3A_2 = arith.muli %add3A, %mul3A_1 : i32
    %min3A = arith.constant 96864 : i32
    %min3A_3 = arith.minsi %mul3A_2, %min3A : i32
    %dma_start3A = arith.constant 0 : i32
    %dma_start3A_4 = tpu.memref_slice %arg8[%dma_start3A] : memref<3136xi32, #tpu.memory_space<vmem>> -> memref<1568xi32, #tpu.memory_space<vmem>>
    %dma_start3A_5 = tpu.memref_slice %arg3[%min3A_3] : memref<100000xi32, #tpu.memory_space<hbm>> -> memref<1568xi32, #tpu.memory_space<hbm>>
    %dma_start3A_6 = arith.constant 0 : i32
    %dma_start3A_7 = tpu.memref_slice %arg8[%dma_start3A_6] : memref<3136xi32, #tpu.memory_space<vmem>> -> memref<1568xi32, #tpu.memory_space<vmem>>
    %dma_start3A_8 = tpu.memref_slice %arg3[%min3A_3] : memref<100000xi32, #tpu.memory_space<hbm>> -> memref<1568xi32, #tpu.memory_space<hbm>>
    tpu.enqueue_dma source(%dma_start3A_8 : memref<1568xi32, #tpu.memory_space<hbm>>) target(%dma_start3A_7 : memref<1568xi32, #tpu.memory_space<vmem>>) target_semaphore(%arg12 : memref<!tpu.dma_semaphore, #tpu.memory_space<semaphore_mem>>)
    %dma_start3A_9 = arith.constant 0 : i32
    %dma_start3A_10 = tpu.memref_slice %arg7[%dma_start3A_9] : memref<3136xf32, #tpu.memory_space<vmem>> -> memref<1568xf32, #tpu.memory_space<vmem>>
    %dma_start3A_11 = tpu.memref_slice %arg2[%min3A_3] : memref<100000xf32, #tpu.memory_space<hbm>> -> memref<1568xf32, #tpu.memory_space<hbm>>
    %dma_start3A_12 = arith.constant 0 : i32
    %dma_start3A_13 = tpu.memref_slice %arg7[%dma_start3A_12] : memref<3136xf32, #tpu.memory_space<vmem>> -> memref<1568xf32, #tpu.memory_space<vmem>>
    %dma_start3A_14 = tpu.memref_slice %arg2[%min3A_3] : memref<100000xf32, #tpu.memory_space<hbm>> -> memref<1568xf32, #tpu.memory_space<hbm>>
    tpu.enqueue_dma source(%dma_start3A_14 : memref<1568xf32, #tpu.memory_space<hbm>>) target(%dma_start3A_13 : memref<1568xf32, #tpu.memory_space<vmem>>) target_semaphore(%arg12 : memref<!tpu.dma_semaphore, #tpu.memory_space<semaphore_mem>>)
    tpu.enqueue_dma source(%arg4 : memref<119xf32, #tpu.memory_space<hbm>>) target(%arg10 : memref<119xf32, #tpu.memory_space<vmem>>) target_semaphore(%arg12 : memref<!tpu.dma_semaphore, #tpu.memory_space<semaphore_mem>>)
    tpu.enqueue_dma source(%arg5 : memref<119xf32, #tpu.memory_space<hbm>>) target(%arg11 : memref<119xf32, #tpu.memory_space<vmem>>) target_semaphore(%arg12 : memref<!tpu.dma_semaphore, #tpu.memory_space<semaphore_mem>>)
    %add3A_15 = arith.constant 1568 : i32
    %add3A_16 = arith.addi %min3A_3, %add3A_15 : i32
    %dma_start3A_17 = arith.constant 1568 : i32
    %dma_start3A_18 = tpu.memref_slice %arg8[%dma_start3A_17] : memref<3136xi32, #tpu.memory_space<vmem>> -> memref<1568xi32, #tpu.memory_space<vmem>>
    %dma_start3A_19 = tpu.memref_slice %arg3[%add3A_16] : memref<100000xi32, #tpu.memory_space<hbm>> -> memref<1568xi32, #tpu.memory_space<hbm>>
    %dma_start3A_20 = arith.constant 1568 : i32
    %dma_start3A_21 = tpu.memref_slice %arg8[%dma_start3A_20] : memref<3136xi32, #tpu.memory_space<vmem>> -> memref<1568xi32, #tpu.memory_space<vmem>>
    %dma_start3A_22 = tpu.memref_slice %arg3[%add3A_16] : memref<100000xi32, #tpu.memory_space<hbm>> -> memref<1568xi32, #tpu.memory_space<hbm>>
    tpu.enqueue_dma source(%dma_start3A_22 : memref<1568xi32, #tpu.memory_space<hbm>>) target(%dma_start3A_21 : memref<1568xi32, #tpu.memory_space<vmem>>) target_semaphore(%arg12 : memref<!tpu.dma_semaphore, #tpu.memory_space<semaphore_mem>>)
    %add3A_23 = arith.constant 1568 : i32
    %add3A_24 = arith.addi %min3A_3, %add3A_23 : i32
    %dma_start3A_25 = arith.constant 1568 : i32
    %dma_start3A_26 = tpu.memref_slice %arg7[%dma_start3A_25] : memref<3136xf32, #tpu.memory_space<vmem>> -> memref<1568xf32, #tpu.memory_space<vmem>>
    %dma_start3A_27 = tpu.memref_slice %arg2[%add3A_24] : memref<100000xf32, #tpu.memory_space<hbm>> -> memref<1568xf32, #tpu.memory_space<hbm>>
    %dma_start3A_28 = arith.constant 1568 : i32
    %dma_start3A_29 = tpu.memref_slice %arg7[%dma_start3A_28] : memref<3136xf32, #tpu.memory_space<vmem>> -> memref<1568xf32, #tpu.memory_space<vmem>>
    %dma_start3A_30 = tpu.memref_slice %arg2[%add3A_24] : memref<100000xf32, #tpu.memory_space<hbm>> -> memref<1568xf32, #tpu.memory_space<hbm>>
    tpu.enqueue_dma source(%dma_start3A_30 : memref<1568xf32, #tpu.memory_space<hbm>>) target(%dma_start3A_29 : memref<1568xf32, #tpu.memory_space<vmem>>) target_semaphore(%arg12 : memref<!tpu.dma_semaphore, #tpu.memory_space<semaphore_mem>>)
    %dma_wait3A = arith.constant 0 : i32
    %dma_wait3A_31 = tpu.memref_slice %arg8[%dma_wait3A] : memref<3136xi32, #tpu.memory_space<vmem>> -> memref<1568xi32, #tpu.memory_space<vmem>>
    %dma_wait3A_32 = tpu.memref_slice %arg3[%min3A_3] : memref<100000xi32, #tpu.memory_space<hbm>> -> memref<1568xi32, #tpu.memory_space<hbm>>
    %dma_wait3A_33 = arith.constant 0 : i32
    %dma_wait3A_34 = tpu.memref_slice %arg8[%dma_wait3A_33] : memref<3136xi32, #tpu.memory_space<vmem>> -> memref<1568xi32, #tpu.memory_space<vmem>>
    %dma_wait3A_35 = tpu.memref_slice %arg3[%min3A_3] : memref<100000xi32, #tpu.memory_space<hbm>> -> memref<1568xi32, #tpu.memory_space<hbm>>
    tpu.wait_dma2 semaphore(%arg12 : memref<!tpu.dma_semaphore, #tpu.memory_space<semaphore_mem>>) src(%dma_wait3A_35 : memref<1568xi32, #tpu.memory_space<hbm>>) dst(%dma_wait3A_34 : memref<1568xi32, #tpu.memory_space<vmem>>)
    %dma_wait3A_36 = arith.constant 0 : i32
    %dma_wait3A_37 = tpu.memref_slice %arg7[%dma_wait3A_36] : memref<3136xf32, #tpu.memory_space<vmem>> -> memref<1568xf32, #tpu.memory_space<vmem>>
    %dma_wait3A_38 = tpu.memref_slice %arg2[%min3A_3] : memref<100000xf32, #tpu.memory_space<hbm>> -> memref<1568xf32, #tpu.memory_space<hbm>>
    %dma_wait3A_39 = arith.constant 0 : i32
    %dma_wait3A_40 = tpu.memref_slice %arg7[%dma_wait3A_39] : memref<3136xf32, #tpu.memory_space<vmem>> -> memref<1568xf32, #tpu.memory_space<vmem>>
    %dma_wait3A_41 = tpu.memref_slice %arg2[%min3A_3] : memref<100000xf32, #tpu.memory_space<hbm>> -> memref<1568xf32, #tpu.memory_space<hbm>>
    tpu.wait_dma2 semaphore(%arg12 : memref<!tpu.dma_semaphore, #tpu.memory_space<semaphore_mem>>) src(%dma_wait3A_41 : memref<1568xf32, #tpu.memory_space<hbm>>) dst(%dma_wait3A_40 : memref<1568xf32, #tpu.memory_space<vmem>>)
    tpu.wait_dma2 semaphore(%arg12 : memref<!tpu.dma_semaphore, #tpu.memory_space<semaphore_mem>>) src(%arg4 : memref<119xf32, #tpu.memory_space<hbm>>) dst(%arg10 : memref<119xf32, #tpu.memory_space<vmem>>)
    tpu.wait_dma2 semaphore(%arg12 : memref<!tpu.dma_semaphore, #tpu.memory_space<semaphore_mem>>) src(%arg5 : memref<119xf32, #tpu.memory_space<hbm>>) dst(%arg11 : memref<119xf32, #tpu.memory_space<vmem>>)
    %parallel_loop3A = arith.constant 0 : i32
    %parallel_loop3A_42 = arith.constant 98 : i32
    %parallel_loop3A_43 = arith.constant 1 : i32
    scf.for %parallel_loop3A_91 = %parallel_loop3A to %parallel_loop3A_42 step %parallel_loop3A_43  : i32 {
      %parallel_loop3A_92 = arith.constant 16 : i32
      %parallel_loop3A_93 = arith.muli %parallel_loop3A_91, %parallel_loop3A_92 : i32
      %parallel_loop3A_94 = arith.index_cast %parallel_loop3A_93 : i32 to index
      %parallel_loop3A_95 = tpu.vector_load %arg8[%parallel_loop3A_94] {strides = array<i32>} : memref<3136xi32, #tpu.memory_space<vmem>>, vector<16xi32>,
      %parallel_loop3A_96 = arith.index_cast %parallel_loop3A_93 : i32 to index
      %parallel_loop3A_97 = tpu.vector_load %arg7[%parallel_loop3A_96] {strides = array<i32>} : memref<3136xf32, #tpu.memory_space<vmem>>, vector<16xf32>,
      %parallel_loop3A_98 = tpu.vector_load_idx %arg10[%parallel_loop3A_95] : memref<119xf32, #tpu.memory_space<vmem>>[vector<16xi32>], vector<16xf32>,
      %parallel_loop3A_99 = tpu.vector_load_idx %arg11[%parallel_loop3A_95] : memref<119xf32, #tpu.memory_space<vmem>>[vector<16xi32>], vector<16xf32>,
      %parallel_loop3A_100 = arith.mulf %parallel_loop3A_98, %parallel_loop3A_97 : vector<16xf32>
      %parallel_loop3A_101 = arith.addf %parallel_loop3A_100, %parallel_loop3A_99 : vector<16xf32>
      %parallel_loop3A_102 = arith.index_cast %parallel_loop3A_93 : i32 to index
      %parallel_loop3A_103 = tpu.vector_load %arg9[%parallel_loop3A_102] {strides = array<i32>} : memref<3136xf32, #tpu.memory_space<vmem>>, vector<16xf32>,
      tpu.vector_store %arg9[%parallel_loop3A_102], %parallel_loop3A_101 {strides = array<i32>} : memref<3136xf32, #tpu.memory_space<vmem>>, vector<16xf32>,
    } {sc.loop_unroll_factor = 8 : i64, sc.parallel_access}
    %dma_start3A_44 = arith.constant 0 : i32
    %dma_start3A_45 = tpu.memref_slice %arg9[%dma_start3A_44] : memref<3136xf32, #tpu.memory_space<vmem>> -> memref<1568xf32, #tpu.memory_space<vmem>>
    %dma_start3A_46 = tpu.memref_slice %arg6[%min3A_3] : memref<100000xf32, #tpu.memory_space<hbm>> -> memref<1568xf32, #tpu.memory_space<hbm>>
    %dma_start3A_47 = tpu.memref_slice %arg6[%min3A_3] : memref<100000xf32, #tpu.memory_space<hbm>> -> memref<1568xf32, #tpu.memory_space<hbm>>
    %dma_start3A_48 = arith.constant 0 : i32
    %dma_start3A_49 = tpu.memref_slice %arg9[%dma_start3A_48] : memref<3136xf32, #tpu.memory_space<vmem>> -> memref<1568xf32, #tpu.memory_space<vmem>>
    tpu.enqueue_dma source(%dma_start3A_49 : memref<1568xf32, #tpu.memory_space<vmem>>) target(%dma_start3A_47 : memref<1568xf32, #tpu.memory_space<hbm>>) target_semaphore(%arg12 : memref<!tpu.dma_semaphore, #tpu.memory_space<semaphore_mem>>)
    %add3A_50 = arith.constant 1568 : i32
    %add3A_51 = arith.addi %min3A_3, %add3A_50 : i32
    %dma_wait3A_52 = arith.constant 1568 : i32
    %dma_wait3A_53 = tpu.memref_slice %arg8[%dma_wait3A_52] : memref<3136xi32, #tpu.memory_space<vmem>> -> memref<1568xi32, #tpu.memory_space<vmem>>
    %dma_wait3A_54 = tpu.memref_slice %arg3[%add3A_51] : memref<100000xi32, #tpu.memory_space<hbm>> -> memref<1568xi32, #tpu.memory_space<hbm>>
    %dma_wait3A_55 = arith.constant 1568 : i32
    %dma_wait3A_56 = tpu.memref_slice %arg8[%dma_wait3A_55] : memref<3136xi32, #tpu.memory_space<vmem>> -> memref<1568xi32, #tpu.memory_space<vmem>>
    %dma_wait3A_57 = tpu.memref_slice %arg3[%add3A_51] : memref<100000xi32, #tpu.memory_space<hbm>> -> memref<1568xi32, #tpu.memory_space<hbm>>
    tpu.wait_dma2 semaphore(%arg12 : memref<!tpu.dma_semaphore, #tpu.memory_space<semaphore_mem>>) src(%dma_wait3A_57 : memref<1568xi32, #tpu.memory_space<hbm>>) dst(%dma_wait3A_56 : memref<1568xi32, #tpu.memory_space<vmem>>)
    %add3A_58 = arith.constant 1568 : i32
    %add3A_59 = arith.addi %min3A_3, %add3A_58 : i32
    %dma_wait3A_60 = arith.constant 1568 : i32
    %dma_wait3A_61 = tpu.memref_slice %arg7[%dma_wait3A_60] : memref<3136xf32, #tpu.memory_space<vmem>> -> memref<1568xf32, #tpu.memory_space<vmem>>
    %dma_wait3A_62 = tpu.memref_slice %arg2[%add3A_59] : memref<100000xf32, #tpu.memory_space<hbm>> -> memref<1568xf32, #tpu.memory_space<hbm>>
    %dma_wait3A_63 = arith.constant 1568 : i32
    %dma_wait3A_64 = tpu.memref_slice %arg7[%dma_wait3A_63] : memref<3136xf32, #tpu.memory_space<vmem>> -> memref<1568xf32, #tpu.memory_space<vmem>>
    %dma_wait3A_65 = tpu.memref_slice %arg2[%add3A_59] : memref<100000xf32, #tpu.memory_space<hbm>> -> memref<1568xf32, #tpu.memory_space<hbm>>
    tpu.wait_dma2 semaphore(%arg12 : memref<!tpu.dma_semaphore, #tpu.memory_space<semaphore_mem>>) src(%dma_wait3A_65 : memref<1568xf32, #tpu.memory_space<hbm>>) dst(%dma_wait3A_64 : memref<1568xf32, #tpu.memory_space<vmem>>)
    %parallel_loop3A_66 = arith.constant 98 : i32
    %parallel_loop3A_67 = arith.constant 196 : i32
    %parallel_loop3A_68 = arith.constant 1 : i32
    scf.for %parallel_loop3A_91 = %parallel_loop3A_66 to %parallel_loop3A_67 step %parallel_loop3A_68  : i32 {
      %parallel_loop3A_92 = arith.constant 16 : i32
      %parallel_loop3A_93 = arith.muli %parallel_loop3A_91, %parallel_loop3A_92 : i32
      %parallel_loop3A_94 = arith.index_cast %parallel_loop3A_93 : i32 to index
      %parallel_loop3A_95 = tpu.vector_load %arg8[%parallel_loop3A_94] {strides = array<i32>} : memref<3136xi32, #tpu.memory_space<vmem>>, vector<16xi32>,
      %parallel_loop3A_96 = arith.index_cast %parallel_loop3A_93 : i32 to index
      %parallel_loop3A_97 = tpu.vector_load %arg7[%parallel_loop3A_96] {strides = array<i32>} : memref<3136xf32, #tpu.memory_space<vmem>>, vector<16xf32>,
      %parallel_loop3A_98 = tpu.vector_load_idx %arg10[%parallel_loop3A_95] : memref<119xf32, #tpu.memory_space<vmem>>[vector<16xi32>], vector<16xf32>,
      %parallel_loop3A_99 = tpu.vector_load_idx %arg11[%parallel_loop3A_95] : memref<119xf32, #tpu.memory_space<vmem>>[vector<16xi32>], vector<16xf32>,
      %parallel_loop3A_100 = arith.mulf %parallel_loop3A_98, %parallel_loop3A_97 : vector<16xf32>
      %parallel_loop3A_101 = arith.addf %parallel_loop3A_100, %parallel_loop3A_99 : vector<16xf32>
      %parallel_loop3A_102 = arith.index_cast %parallel_loop3A_93 : i32 to index
      %parallel_loop3A_103 = tpu.vector_load %arg9[%parallel_loop3A_102] {strides = array<i32>} : memref<3136xf32, #tpu.memory_space<vmem>>, vector<16xf32>,
      tpu.vector_store %arg9[%parallel_loop3A_102], %parallel_loop3A_101 {strides = array<i32>} : memref<3136xf32, #tpu.memory_space<vmem>>, vector<16xf32>,
    } {sc.loop_unroll_factor = 8 : i64, sc.parallel_access}
    %add3A_69 = arith.constant 1568 : i32
    %add3A_70 = arith.addi %min3A_3, %add3A_69 : i32
    %dma_start3A_71 = arith.constant 1568 : i32
    %dma_start3A_72 = tpu.memref_slice %arg9[%dma_start3A_71] : memref<3136xf32, #tpu.memory_space<vmem>> -> memref<1568xf32, #tpu.memory_space<vmem>>
    %dma_start3A_73 = tpu.memref_slice %arg6[%add3A_70] : memref<100000xf32, #tpu.memory_space<hbm>> -> memref<1568xf32, #tpu.memory_space<hbm>>
    %dma_start3A_74 = tpu.memref_slice %arg6[%add3A_70] : memref<100000xf32, #tpu.memory_space<hbm>> -> memref<1568xf32, #tpu.memory_space<hbm>>
    %dma_start3A_75 = arith.constant 1568 : i32
    %dma_start3A_76 = tpu.memref_slice %arg9[%dma_start3A_75] : memref<3136xf32, #tpu.memory_space<vmem>> -> memref<1568xf32, #tpu.memory_space<vmem>>
    tpu.enqueue_dma source(%dma_start3A_76 : memref<1568xf32, #tpu.memory_space<vmem>>) target(%dma_start3A_74 : memref<1568xf32, #tpu.memory_space<hbm>>) target_semaphore(%arg12 : memref<!tpu.dma_semaphore, #tpu.memory_space<semaphore_mem>>)
    %dma_wait3A_77 = arith.constant 0 : i32
    %dma_wait3A_78 = tpu.memref_slice %arg9[%dma_wait3A_77] : memref<3136xf32, #tpu.memory_space<vmem>> -> memref<1568xf32, #tpu.memory_space<vmem>>
    %dma_wait3A_79 = tpu.memref_slice %arg6[%min3A_3] : memref<100000xf32, #tpu.memory_space<hbm>> -> memref<1568xf32, #tpu.memory_space<hbm>>
    %dma_wait3A_80 = tpu.memref_slice %arg6[%min3A_3] : memref<100000xf32, #tpu.memory_space<hbm>> -> memref<1568xf32, #tpu.memory_space<hbm>>
    %dma_wait3A_81 = arith.constant 0 : i32
    %dma_wait3A_82 = tpu.memref_slice %arg9[%dma_wait3A_81] : memref<3136xf32, #tpu.memory_space<vmem>> -> memref<1568xf32, #tpu.memory_space<vmem>>
    tpu.wait_dma2 semaphore(%arg12 : memref<!tpu.dma_semaphore, #tpu.memory_space<semaphore_mem>>) src(%dma_wait3A_82 : memref<1568xf32, #tpu.memory_space<vmem>>) dst(%dma_wait3A_80 : memref<1568xf32, #tpu.memory_space<hbm>>)
    %add3A_83 = arith.constant 1568 : i32
    %add3A_84 = arith.addi %min3A_3, %add3A_83 : i32
    %dma_wait3A_85 = arith.constant 1568 : i32
    %dma_wait3A_86 = tpu.memref_slice %arg9[%dma_wait3A_85] : memref<3136xf32, #tpu.memory_space<vmem>> -> memref<1568xf32, #tpu.memory_space<vmem>>
    %dma_wait3A_87 = tpu.memref_slice %arg6[%add3A_84] : memref<100000xf32, #tpu.memory_space<hbm>> -> memref<1568xf32, #tpu.memory_space<hbm>>
    %dma_wait3A_88 = tpu.memref_slice %arg6[%add3A_84] : memref<100000xf32, #tpu.memory_space<hbm>> -> memref<1568xf32, #tpu.memory_space<hbm>>
    %dma_wait3A_89 = arith.constant 1568 : i32
    %dma_wait3A_90 = tpu.memref_slice %arg9[%dma_wait3A_89] : memref<3136xf32, #tpu.memory_space<vmem>> -> memref<1568xf32, #tpu.memory_space<vmem>>
    tpu.wait_dma2 semaphore(%arg12 : memref<!tpu.dma_semaphore, #tpu.memory_space<semaphore_mem>>) src(%dma_wait3A_90 : memref<1568xf32, #tpu.memory_space<vmem>>) dst(%dma_wait3A_88 : memref<1568xf32, #tpu.memory_space<hbm>>)
    return
  }
}

</mosaic_0001>

<sc_bundles>
// kernel: kernel.3.cloned.1.call-start
scs
__scs_entry_jumppad:
0x0: {  	(pc) =	sbr.rel $0x88, $3  }
0x1: {  	(tag) =	ssettag $0x0;
	lr =	simm.s32 $0x1  }
0x2: {  	[smem:$0x3F9D] =	sst lr;
	_ =	strace $0xD0000000  }
0x3: {  	_ = 	snop  }
0x4: {  	_ = 	snop  }
0x5: {  	_ = 	snop  }
0x6: {  	_ = 	snop  }
0x7: {  	_ = 	snop  }
__scs_overlays_trampoline_lowered:
0x8: {  	[smem:$0x3FAC] =	sst s0  }
0x9: {  	[smem:$0x3FAD] =	sst s1  }
0xa: {  	[smem:$0x3FAE] =	sst s2  }
0xb: {  	[smem:$0x3FAF] =	sst s3  }
0xc: {  	[smem:$0x3FB0] =	sst s4  }
0xd: {  	[smem:$0x3FB1] =	sst s5  }
0xe: {  	[smem:$0x3FB2] =	sst s6  }
0xf: {  	[smem:$0x3FB3] =	sst s7  }
0x10: {  	[smem:$0x3FB4] =	sst s8  }
0x11: {  	[smem:$0x3FB5] =	sst s9;
	s0 =	simm.s32 @!p0 $0x0  }
0x12: {  	s1 =	sld [smem:$0x3F9B];
	s0 =	simm.s32 @p0 $0x1  }
0x13: {  	[smem:$0x3FB6] =	sst s0;
	s0 =	simm.s32 @!p1 $0x0  }
0x14: {  	s2 =	sld [smem:$0x3F9A];
	s0 =	simm.s32 @p1 $0x1  }
0x15: {  	[smem:$0x3FB7] =	sst s0;
	s0 =	simm.s32 @!p2 $0x0  }
0x16: {  	s3 =	sld [smem:$0x3FDB];
	s0 =	simm.s32 @p2 $0x1  }
0x17: {  	s4 =	simm.s32 $0x1BF5;
	[smem:$0x3FB9] =	sst s0  }
0x18: {  	s0 =	sld [smem:$0x3F9C];
	_ =	swait.ge [sflag:s4], $0x0  }
0x19: {  	s7 =	sld [smem:$0x3F9D]  }
0x1a: {  	s8 =	sadd.s32 $0xFFFFE003, lr  }
0x1b: {  	s9 =	sadd.s32 $0xFFFFFEF7, lr;
	s5 =	simm.s32 $0xFFFFFFFF;
	p2 =	slt.u32 s8, $0xFFFFF086  }
0x1c: {  	p1 =	slt.u32 s9, $0xF7A;
	s5 =	simm.s32 @!p2 $0x0  }
0x1d: {  	s5 =	simm.s32 @p1 $0x1;
	p0 =	seq.s32 s7, s2  }
0x1e: {  	s7 =	smul.u32 @!p0 $0xF7A, s2;
	p2 =	seq.s32 @!p0 s5, $0x0  }
0x1f: {  	s9 =	smul.u32 $0xF7A, s1;
	s8 =	simm.s32 @!p0 $0x1BF5;
	p2 =	por !p2, p0  }
0x20: {  	[sflag:s8] =	ssyncset.s32 @!p0 $0xFFFFF086;
	s6 =	sadd.s32 @!p0 s3, s7;
	s7 =	simm.s32 @!p0 $0x108  }
0x21: {  	s3 =	sadd.s32 s3, s9;
	s6 =	sadd.s32 @!p0 $0x88, s6;
	s7 =	simm.s32 @p2 $0x1082  }
0x22: {  	[simem:s7], [sflag:s8] =	dma.local @!p0 [hbm:s6], $0xF7A  }
0x23: {  	s9 =	sor.u32 $0xD0000000, s2;
	s6 =	simm.s32 $0x108;
	_ =	swait.ge @!p0 [sflag:s8], $0x0  }
0x24: {  	s3 =	sadd.s32 $0x88, s3;
	s6 =	simm.s32 @!p1 $0x1082;
	[sflag:s4] =	ssyncset.s32 $0xFFFFF086  }
0x25: {  	[simem:s6], [sflag:s4] =	dma.local [hbm:s3], $0xF7A  }
0x26: {  	[smem:$0x3F9D] =	sst s1;
	(tag) =	ssettag s2;
	_ =	strace s9  }
0x27: {  	s1 =	sld [smem:$0x3FAD]  }
0x28: {  	s2 =	sld [smem:$0x3FAE]  }
0x29: {  	s4 =	sld [smem:$0x3FB0]  }
0x2a: {  	p0 =	seq.s32 s5, $0x0;
	s5 =	sld [smem:$0x3FB1]  }
0x2b: {  	s6 =	sld [smem:$0x3FB2]  }
0x2c: {  	s7 =	sld [smem:$0x3FB3]  }
0x2d: {  	s3 =	simm.s32 $0x108;
	s8 =	sld [smem:$0x3FB4]  }
0x2e: {  	s3 =	simm.s32 @!p0 $0x1082;
	s9 =	sld [smem:$0x3FB5]  }
0x2f: {  	lr =	sadd.s32 s0, s3;
	s0 =	sld [smem:$0x3FAC]  }
0x30: {  	s3 =	sld [smem:$0x3FAF]  }
0x31: {  	[smem:$0x3FB8] =	sst s10  }
0x32: {  	s10 =	sld [smem:$0x3FB6];
	_ =	sdelay $0x3  }
0x33: {  	p0 =	seq.s32 s10, $0x1;
	s10 =	sld [smem:$0x3FB8];
	_ =	sdelay $0x3  }
0x34: {  	[smem:$0x3FB8] =	sst s10  }
0x35: {  	s10 =	sld [smem:$0x3FB7];
	_ =	sdelay $0x3  }
0x36: {  	p1 =	seq.s32 s10, $0x1;
	s10 =	sld [smem:$0x3FB8];
	_ =	sdelay $0x3  }
0x37: {  	[smem:$0x3FB8] =	sst s10  }
0x38: {  	s10 =	sld [smem:$0x3FB9]  }
0x39: {  	_ = 	snop;
	(pc) =	sbr.ind lr, $3  }
0x3a: {  	_ = 	snop  }
0x3b: {  	_ = 	snop  }
0x3c: {  	p2 =	seq.s32 s10, $0x1;
	s10 =	sld [smem:$0x3FB8]  }
0x3d: {  	_ =	shalt  }
0x3e: {  	_ =	shalt  }
0x3f: {  	_ =	shalt  }
0x40: {  	_ =	shalt  }
0x41: {  	_ =	shalt  }
0x42: {  	_ =	shalt  }
0x43: {  	_ =	shalt  }
0x44: {  	_ =	shalt  }
0x45: {  	_ =	shalt  }
0x46: {  	_ =	shalt  }
0x47: {  	_ =	shalt  }
0x48: {  	_ =	shalt  }
0x49: {  	_ =	shalt  }
0x4a: {  	_ =	shalt  }
0x4b: {  	_ =	shalt  }
0x4c: {  	_ =	shalt  }
0x4d: {  	_ =	shalt  }
0x4e: {  	_ =	shalt  }
0x4f: {  	_ =	shalt  }
0x50: {  	_ =	shalt  }
0x51: {  	_ =	shalt  }
0x52: {  	_ =	shalt  }
0x53: {  	_ =	shalt  }
0x54: {  	_ =	shalt  }
0x55: {  	_ =	shalt  }
0x56: {  	_ =	shalt  }
0x57: {  	_ =	shalt  }
0x58: {  	_ =	shalt  }
0x59: {  	_ =	shalt  }
0x5a: {  	_ =	shalt  }
0x5b: {  	_ =	shalt  }
0x5c: {  	_ =	shalt  }
0x5d: {  	_ =	shalt  }
0x5e: {  	_ =	shalt  }
0x5f: {  	_ =	shalt  }
0x60: {  	_ =	shalt  }
0x61: {  	_ =	shalt  }
0x62: {  	_ =	shalt  }
0x63: {  	_ =	shalt  }
0x64: {  	_ =	shalt  }
0x65: {  	_ =	shalt  }
0x66: {  	_ =	shalt  }
0x67: {  	_ =	shalt  }
0x68: {  	_ =	shalt  }
0x69: {  	_ =	shalt  }
0x6a: {  	_ =	shalt  }
0x6b: {  	_ =	shalt  }
0x6c: {  	_ =	shalt  }
0x6d: {  	_ =	shalt  }
0x6e: {  	_ =	shalt  }
0x6f: {  	_ =	shalt  }
0x70: {  	_ =	shalt  }
0x71: {  	_ =	shalt  }
0x72: {  	_ =	shalt  }
0x73: {  	_ =	shalt  }
0x74: {  	_ =	shalt  }
0x75: {  	_ =	shalt  }
0x76: {  	_ =	shalt  }
0x77: {  	_ =	shalt  }
0x78: {  	_ =	shalt  }
0x79: {  	_ =	shalt  }
0x7a: {  	_ =	shalt  }
0x7b: {  	_ =	shalt  }
0x7c: {  	_ =	shalt  }
0x7d: {  	_ =	shalt  }
0x7e: {  	_ =	shalt  }
0x7f: {  	_ =	shalt  }
0x80: {  	_ =	shalt  }
0x81: {  	_ =	shalt  }
0x82: {  	_ =	shalt  }
0x83: {  	_ =	shalt  }
0x84: {  	_ =	shalt  }
0x85: {  	_ =	shalt  }
0x86: {  	_ =	shalt  }
0x87: {  	_ =	shalt  }
.Lfunc_end0:
.L_simem_size_0:
called_computation_lowered:
.L_overlay_start_0:
0x88: {  	s2 =	sld [smem:$0x3FD9]  }
0x89: {  	s3 =	sld [smem:$0x3FFE];
	_ =	sdelay $0x1  }
0x8a: {  	s1 =	srdreg.scid  }
0x8b: {  	s0 =	sand.u32 $0x1, s1  }
0x8c: {  	s17 =	sshll.u32 s0, $0xA;
	s2 =	sadd.s32 s3, s2  }
0x8d: {  	s2 =	sadd.s32 s2, s17  }
0x8e: {  	[smem:$0x3FC4] =	sst s2  }
0x8f: {  	_ = 	snop  }
0x90: {  	s2 =	sld [smem:$0x3FC8]  }
0x91: {  	s18 =	sld [smem:$0x3FC7]  }
0x92: {  	s4 =	sld [smem:$0x3FC6];
	(tm) =	ssettm $0x1  }
0x93: {  	s5 =	sld [smem:$0x3FFB];
	_ =	sdelay $0x3  }
0x94: {  	_ =	strace s5  }
0x95: {  	s5 =	sld [smem:$0x3FFC];
	_ =	sdelay $0x3  }
0x96: {  	_ =	strace s5  }
0x97: {  	s5 =	sld [smem:$0x3FFD];
	_ =	sdelay $0x3  }
0x98: {  	_ =	strace s5  }
0x99: {  	_ =	strace $0x8FFFFFFF  }
0x9a: {  	s19 =	sld [smem:$0x3FDB];
	_ =	sdelay $0x1  }
0x9b: {  	s6 =	simm.s32 $_scs_section_size  }
0x9c: {  	s7 =	simm.s32 $_size__tile_overlayer_lowered;
	s8 =	simm.s32 $_tile_overlayer_lowered  }
0x9d: {  	s22 =	simm.s32 $0x1BFF;
	s21 =	sshll.u32 s8, $0x1;
	s5 =	sadd.s32 s6, s19  }
0x9e: {  	s9 =	simm.s32 $0x0;
	s20 =	sshll.u32 s7, $0x1;
	s7 =	sadd.s32 s21, s5  }
0x9f: {  	[timem:s9], [sflag:s22] =	dma.local [hbm:s7], s20  }
0xa0: {  	_ =	swait.ge [sflag:s22], s20  }
0xa1: {  	s6 =	ssub.s32 $0x0, s20;
	[sflag:s22] =	ssyncset.done $0x0  }
0xa2: {  	[sflag:s22] =	ssyncadd.s32 s6;
	_ =	sdelay $0x1  }
0xa3: {  	s23 =	simm.s32 $0x1B8B  }
0xa4: {  	_ =	swait.ge [sflag:s23], $0x1  }
0xa5: {  	[sflag:s23] =	ssyncset.done $0x0  }
0xa6: {  	s25 =	simm.s32 $0x1B8E;
	s24 =	sld [smem:$0x3FFE];
	[sflag:s23] =	ssyncadd.s32 $0xFFFFFFFF  }
0xa7: {  	s26 =	simm.s32 $execute0_lowered;
	[smem:$0x3FD2] =	sst s25  }
0xa8: {  	s7 =	sshll.u32 s26, $0x1;
	_ =	strace $0x80000046;
	[dreg:$0x1] =	wrdreg $0xFFFFFFFF  }
0xa9: {  	s28 =	simm.s32 $_size_execute0_lowered;
	s5 =	sadd.s32 s5, s7;
	[dreg:$0x0] =	wrdreg $0x0  }
0xaa: {  	s7 =	sshll.u32 s28, $0x1;
	[dreg:$0x2] =	wrdreg s5  }
0xab: {  	[dreg:$0x3] =	wrdreg s7  }
0xac: {  	[dreg:$0x4] =	wrdreg $0xC0  }
0xad: {  	_ =	task [dreg:s9], $0x5FFFF  }
0xae: {  	[dreg:$0x1] =	wrdreg $0xFFFFFFFF  }
0xaf: {  	[dreg:$0x0] =	wrdreg $0x60  }
0xb0: {  	[dreg:$0x2] =	wrdreg s24  }
0xb1: {  	[dreg:$0x3] =	wrdreg s2  }
0xb2: {  	[dreg:$0x4] =	wrdreg s18  }
0xb3: {  	[dreg:$0x5] =	wrdreg s4  }
0xb4: {  	[dreg:$0x6] =	wrdreg $0x9  }
0xb5: {  	_ =	task.clear_ibuf [dreg:s9], $0x7FFFF;
	_ =	strace $0x90000046  }
0xb6: {  	s29 =	simm.s32 $0x9;
	_ =	strace $0x80000048  }
0xb7: {  	_ =	swait.ge [sflag:s29], $0x1  }
0xb8: {  	[sflag:s29] =	ssyncadd.s32 $0xFFFFFFFF  }
0xb9: {  	_ =	strace $0x90000048  }
0xba: {  	_ =	sfence  }
0xbb: {  	s30 =	sld [smem:$0x0];
	_ =	sdelay $0x2  }
0xbc: {  	s31 =	sshll.u32 s1, $0xD;
	s1 =	sshrl.u32 s1, $0x2  }
0xbd: {  	s3 =	sand.u32 $0x4000, s31;
	s1 =	sadd.s32 s1, s30  }
0xbe: {  	s0 =	sor.u32 s3, s0;
	s1 =	sshll.u32 s1, $0x11  }
0xbf: {  	s0 =	sor.u32 s1, s0  }
0xc0: {  	s0 =	sadd.s32 $0x8F2B, s0  }
0xc1: {  	[sflag:s0] =	ssyncadd.remote.s32 $0x1  }
0xc2: {  	_ =	sfence.sel $0xFFFF  }
0xc3: {  	[dreg:$0x0] =	wrdreg $0xFFFFFFFF;
	(pc) =	sbr.abs _section_cstart, $3  }
0xc4: {  	[dreg:$0x1] =	wrdreg $0xFFFFFFFF  }
0xc5: {  	_ =	task.clear_ibuf [dreg:s9], $0x2FFFF;
	_ =	strace $0x9FFFFFFF  }
0xc6: {  	(tm) =	ssettm $0x7FFFFFFF  }
0xc7: {  	_ =	shalt  }
tec
execute0_lowered:
.L_overlay_start_1:
0x0: {  	(tag) =	ssettag $0x1  }
0x1: {  	s8 =	rddreg [dreg:$0x0]  }
0x2: {  	s7 =	rddreg [dreg:$0x1]  }
0x3: {  	s1 =	srdreg.scid;
	s2 =	rddreg [dreg:$0x2]  }
0x4: {  	s0 =	stileid.u32;
	s3 =	rddreg [dreg:$0x3];
	s4 =	simm.s32 $0x0  }
0x5: {  	s14 =	simm.s32 $0x2600;
	s5 =	sand.u32 $0x1, s1;
	s31 =	sshll.u32 s0, $0x1  }
0x6: {  	s15 =	simm.s32 $0x12A0;
	s16 =	simm.s32 $0x620;
	s6 =	sor.u32 s5, s31  }
0x7: {  	s17 =	simm.s32 $0x1;
	s18 =	simm.s32 $0x1900;
	s6 =	smul.u32 $0xC40, s6  }
0x8: {  	s19 =	simm.s32 $0x1F20;
	s20 =	simm.s32 $0x0;
	s1 =	rddreg [dreg:$0x4]  }
0x9: {  	[smem:$0x7FF] =	sst s4;
	s5 =	ssub.s32 $0x2, s5;
	s6 =	smin.u32 s6, $0x17A60  }
0xa: {  	s10 =	sadd.s32 $0x3200, s8;
	s9 =	sshrl.u32 s5, $0x1;
	s11 =	sshrl.u32 s6, $0x3  }
0xb: {  	_ =	strace $0x80000047;
	s12 =	ssub.s32 s5, s9;
	s5 =	sadd.s32 s7, s11  }
0xc: {  	s13 =	sadd.s32 $0xC4, s11;
	s6 =	sadd.s32 s8, s11;
	s9 =	sadd.s32 s10, s11  }
0xd: {  	s11 =	smax.u32 s12, $0x1;
	s12 =	simm.s32 $0xC80;
	s7 =	sadd.s32 s7, s13  }
0xe: {  	s8 =	sadd.s32 s8, s13;
	s10 =	sadd.s32 s10, s13;
	s13 =	simm.s32 $0x2580  }
.LBB2_1:
0xf: {  	[tilespmem:s12], [sflag:$0x1] =	stream.linear.gather [hbm4b:s5+s4], $0x620, $0x38;
	[tilespmem:$0x2680] =	vst v63  }
0x10: {  	_ = 	snop  }
0x11: {  	[tilespmem:s4], [sflag:$0x1] =	stream.linear.gather [hbm4b:s6+s4], $0x620, $0x38;
	[tilespmem:$0x2680] =	vst v63  }
0x12: {  	_ = 	snop  }
0x13: {  	[tilespmem:s13], [sflag:$0x1] =	stream.linear.gather [hbm4b:s2+s4], $0x80, $0x38;
	[tilespmem:$0x2680] =	vst v63  }
0x14: {  	_ = 	snop  }
0x15: {  	[tilespmem:s14], [sflag:$0x1] =	stream.linear.gather [hbm4b:s3+s4], $0x80, $0x38;
	[tilespmem:$0x2680] =	vst v63  }
0x16: {  	_ = 	snop  }
0x17: {  	[tilespmem:s15], [sflag:$0x1] =	stream.linear.gather [hbm4b:s7+s4], $0x620, $0x38;
	[tilespmem:$0x2680] =	vst v63  }
0x18: {  	_ = 	snop  }
0x19: {  	[tilespmem:s16], [sflag:$0x1] =	stream.linear.gather [hbm4b:s8+s4], $0x620, $0x38;
	[tilespmem:$0x2680] =	vst v63  }
0x1a: {  	_ =	swait.ge [sflag:s17], $0x620  }
0x1b: {  	[sflag:s17] =	ssyncset.done $0x0  }
0x1c: {  	[sflag:s17] =	ssyncadd.s32 $0xFFFFF9E0  }
0x1d: {  	_ =	swait.ge [sflag:s17], $0x620  }
0x1e: {  	[sflag:s17] =	ssyncset.done $0x0  }
0x1f: {  	[sflag:s17] =	ssyncadd.s32 $0xFFFFF9E0  }
0x20: {  	_ =	swait.ge [sflag:s17], $0x80  }
0x21: {  	[sflag:s17] =	ssyncset.done $0x0  }
0x22: {  	[sflag:s17] =	ssyncadd.s32 $0xFFFFFF80  }
0x23: {  	_ =	swait.ge [sflag:s17], $0x80  }
0x24: {  	[sflag:s17] =	ssyncset.done $0x0  }
0x25: {  	s21 =	simm.s32 $0xCC0;
	[sflag:s17] =	ssyncadd.s32 $0xFFFFFF80  }
0x26: {  	v0 =	vld [tilespmem:s21+$0x30]  }
0x27: {  	v1 =	vld [tilespmem:s21+$0xFFFFFFD0]  }
0x28: {  	v2 =	vld [tilespmem:s21+$0xFFFFFFE0]  }
0x29: {  	v3 =	vld [tilespmem:s21+$0xFFFFFFF0]  }
0x2a: {  	v6 =	vld [tilespmem:s21+$0x0]  }
0x2b: {  	v9 =	vld [tilespmem:s21+$0x10]  }
0x2c: {  	v11 =	vld [tilespmem:s21+$0x20]  }
0x2d: {  	v4 =	vld [tilespmem:s21+$0xFFFFFFC0];
	s21 =	simm.s32 $0x40  }
0x2e: {  	v7 =	vld [tilespmem:s21+$0x30]  }
0x2f: {  	v18 =	vld [tilespmem:s21+$0xFFFFFFC0]  }
0x30: {  	v19 =	vld [tilespmem:s21+$0xFFFFFFD0]  }
0x31: {  	v20 =	vld [tilespmem:s21+$0xFFFFFFE0]  }
0x32: {  	v21 =	vld [tilespmem:s21+$0xFFFFFFF0]  }
0x33: {  	v22 =	vld [tilespmem:s21+$0x0]  }
0x34: {  	v23 =	vld [tilespmem:s21+$0x10]  }
0x35: {  	v24 =	vld [tilespmem:s21+$0x20]  }
0x36: {  	v5 =	vld.idx.msk [tilespmem:v0+s13+$0x0], $0xffff  }
0x37: {  	v0 =	vld.idx.msk [tilespmem:v0+s14+$0x0], $0xffff  }
0x38: {  	v8 =	vld.idx.msk [tilespmem:v1+s13+$0x0], $0xffff  }
0x39: {  	v12 =	vld.idx.msk [tilespmem:v2+s13+$0x0], $0xffff  }
0x3a: {  	v13 =	vld.idx.msk [tilespmem:v3+s13+$0x0], $0xffff  }
0x3b: {  	v14 =	vld.idx.msk [tilespmem:v6+s13+$0x0], $0xffff  }
0x3c: {  	v15 =	vld.idx.msk [tilespmem:v4+s13+$0x0], $0xffff  }
0x3d: {  	v16 =	vld.idx.msk [tilespmem:v9+s13+$0x0], $0xffff  }
0x3e: {  	v17 =	vld.idx.msk [tilespmem:v11+s13+$0x0], $0xffff  }
0x3f: {  	v25 =	vld.idx.msk [tilespmem:v4+s14+$0x0], $0xffff  }
0x40: {  	v10 =	vld.idx.msk [tilespmem:v1+s14+$0x0], $0xffff  }
0x41: {  	v4 =	vld.idx.msk [tilespmem:v2+s14+$0x0], $0xffff  }
0x42: {  	v9 =	vld.idx.msk [tilespmem:v9+s14+$0x0], $0xffff;
	v5 =	vmul.f32 v5, v7  }
0x43: {  	v15 =	vmul.f32 v15, v18;
	v7 =	vld.idx.msk [tilespmem:v6+s14+$0x0], $0xffff  }
0x44: {  	v8 =	vmul.f32 v8, v19;
	v6 =	vmul.f32 v13, v21;
	v0 =	vadd.f32 v0, v5;
	v5 =	vld.idx.msk [tilespmem:v3+s14+$0x0], $0xffff  }
0x45: {  	s22 =	simm.s32 $0x1940;
	v11 =	vld.idx.msk [tilespmem:v11+s14+$0x0], $0xffff;
	v1 =	vmul.f32 v14, v22;
	v2 =	vmul.f32 v16, v23  }
0x46: {  	s23 =	simm.s32 $0x0;
	s24 =	simm.s32 $0xD40;
	v3 =	vmul.f32 v12, v20;
	v12 =	vadd.f32 v25, v15;
	[tilespmem:s22+$0x30] =	vst v0;
	v0 =	vmul.f32 v17, v24  }
.LBB2_2:
0x47: {  	v13 =	vld [tilespmem:s24+$0x30];
	s23 =	sadd.s32 $0x8, s23;
	v8 =	vadd.f32 v10, v8  }
0x48: {  	v3 =	vadd.f32 v4, v3;
	v10 =	vld [tilespmem:s24+$0xFFFFFFD0];
	p0 =	slt.u32 s23, $0x58;
	[tilespmem:s22+$0xFFFFFFC0] =	vst v12  }
0x49: {  	v5 =	vadd.f32 v5, v6;
	v4 =	vld [tilespmem:s24+$0xFFFFFFE0];
	[tilespmem:s22+$0xFFFFFFD0] =	vst v8  }
0x4a: {  	v1 =	vadd.f32 v7, v1;
	v12 =	vld [tilespmem:s24+$0xFFFFFFF0];
	[tilespmem:s22+$0xFFFFFFE0] =	vst v3  }
0x4b: {  	v2 =	vadd.f32 v9, v2;
	v7 =	vld [tilespmem:s24+$0x0];
	[tilespmem:s22+$0xFFFFFFF0] =	vst v5  }
0x4c: {  	v0 =	vadd.f32 v11, v0;
	v9 =	vld [tilespmem:s24+$0x10];
	[tilespmem:s22+$0x0] =	vst v1  }
0x4d: {  	v11 =	vld [tilespmem:s24+$0x20];
	[tilespmem:s22+$0x10] =	vst v2  }
0x4e: {  	v1 =	vld [tilespmem:s24+$0xFFFFFFC0];
	[tilespmem:s22+$0x20] =	vst v0  }
0x4f: {  	s21 =	sadd.s32 $0x80, s21;
	v0 =	vld.idx.msk [tilespmem:v13+s13+$0x0], $0xffff  }
0x50: {  	v2 =	vld [tilespmem:s21+$0x30]  }
0x51: {  	v3 =	vld.idx.msk [tilespmem:v13+s14+$0x0], $0xffff  }
0x52: {  	v5 =	vld.idx.msk [tilespmem:v10+s13+$0x0], $0xffff  }
0x53: {  	v6 =	vld.idx.msk [tilespmem:v4+s13+$0x0], $0xffff  }
0x54: {  	v13 =	vld.idx.msk [tilespmem:v12+s13+$0x0], $0xffff  }
0x55: {  	v14 =	vld.idx.msk [tilespmem:v7+s13+$0x0], $0xffff;
	v0 =	vmul.f32 v0, v2  }
0x56: {  	v2 =	vld.idx.msk [tilespmem:v1+s13+$0x0], $0xffff  }
0x57: {  	v15 =	vld.idx.msk [tilespmem:v9+s13+$0x0], $0xffff;
	v0 =	vadd.f32 v3, v0  }
0x58: {  	s22 =	sadd.s32 $0x80, s22;
	v16 =	vld.idx.msk [tilespmem:v11+s13+$0x0], $0xffff  }
0x59: {  	s25 =	simm.s32 $0x0;
	v3 =	vld [tilespmem:s21+$0xFFFFFFC0];
	[tilespmem:s22+$0x30] =	vst v0  }
0x5a: {  	v0 =	vld [tilespmem:s21+$0xFFFFFFD0]  }
0x5b: {  	v17 =	vld [tilespmem:s21+$0xFFFFFFE0]  }
0x5c: {  	v18 =	vld [tilespmem:s21+$0xFFFFFFF0]  }
0x5d: {  	v19 =	vld [tilespmem:s21+$0x0]  }
0x5e: {  	v20 =	vmul.f32 v2, v3;
	v2 =	vld [tilespmem:s21+$0x10]  }
0x5f: {  	v8 =	vmul.f32 v5, v0;
	v0 =	vld [tilespmem:s21+$0x20]  }
0x60: {  	v21 =	vld.idx.msk [tilespmem:v1+s14+$0x0], $0xffff;
	v3 =	vmul.f32 v6, v17  }
0x61: {  	v10 =	vld.idx.msk [tilespmem:v10+s14+$0x0], $0xffff;
	v6 =	vmul.f32 v13, v18  }
.Ltmp0:
0x62: {  	v4 =	vld.idx.msk [tilespmem:v4+s14+$0x0], $0xffff;
	v1 =	vmul.f32 v14, v19;
	(pc) =	sbr.rel @p0 .LBB2_2-.Ltmp0, $4  }
0x63: {  	v5 =	vld.idx.msk [tilespmem:v12+s14+$0x0], $0xffff;
	v2 =	vmul.f32 v15, v2  }
0x64: {  	v7 =	vld.idx.msk [tilespmem:v7+s14+$0x0], $0xffff;
	v0 =	vmul.f32 v16, v0  }
0x65: {  	v9 =	vld.idx.msk [tilespmem:v9+s14+$0x0], $0xffff  }
0x66: {  	s24 =	sadd.s32 $0x80, s24;
	v12 =	vadd.f32 v21, v20;
	v11 =	vld.idx.msk [tilespmem:v11+s14+$0x0], $0xffff  }
0x67: {  	v8 =	vadd.f32 v10, v8  }
0x68: {  	v3 =	vadd.f32 v4, v3;
	[tilespmem:s22+$0xFFFFFFC0] =	vst v12  }
0x69: {  	v63 =	vadd.f32 v5, v6;
	[tilespmem:s22+$0xFFFFFFD0] =	vst v8  }
0x6a: {  	[tilespmem:s22+$0xFFFFFFE0] =	vst v3;
	v1 =	vadd.f32 v7, v1  }
0x6b: {  	[tilespmem:s22+$0xFFFFFFF0] =	vst v63;
	v2 =	vadd.f32 v9, v2  }
0x6c: {  	[tilespmem:s22+$0x0] =	vst v1;
	v0 =	vadd.f32 v11, v0  }
0x6d: {  	[tilespmem:s22+$0x10] =	vst v2  }
0x6e: {  	[tilespmem:s22+$0x20] =	vst v0  }
.LBB2_4:
0x6f: {  	s21 =	sshra.s32 s25, $0x2  }
0x70: {  	v0 =	vld [tilespmem:s21+$0x1280];
	_ =	sdelay $0x6  }
0x71: {  	v1 =	vld [tilespmem:s21+$0x600]  }
0x72: {  	v2 =	vld.idx.msk [tilespmem:v0+s13+$0x0], $0xffff;
	_ =	sdelay $0x1  }
0x73: {  	v0 =	vld.idx.msk [tilespmem:v0+s14+$0x0], $0xffff;
	_ =	sdelay $0x1  }
0x74: {  	p0 =	sne.s32 s25, $0x40  }
.Ltmp1:
0x75: {  	v1 =	vmul.f32 v2, v1;
	(pc) =	sbr.rel @p0 .LBB2_4-.Ltmp1, $3  }
0x76: {  	_ = 	snop  }
0x77: {  	v0 =	vadd.f32 v0, v1;
	_ =	sdelay $0x1  }
0x78: {  	s25 =	sadd.s32 $0x40, s25;
	[tilespmem:s21+$0x1F00] =	vst v0  }
0x79: {  	[hbm4b:s9+s4] =	stream.linear.scatter [tilespmem:s18], [sflag:$0x1], $0x620, $0x38;
	[tilespmem:$0x2680] =	vst v63  }
0x7a: {  	_ =	swait.ge [sflag:s17], $0x620  }
0x7b: {  	[sflag:s17] =	ssyncset.done $0x0  }
0x7c: {  	[sflag:s17] =	ssyncadd.s32 $0xFFFFF9E0  }
0x7d: {  	_ =	swait.ge [sflag:s17], $0x620  }
0x7e: {  	[sflag:s17] =	ssyncset.done $0x0  }
0x7f: {  	s21 =	simm.s32 $0x1310;
	[sflag:s17] =	ssyncadd.s32 $0xFFFFF9E0  }
0x80: {  	v0 =	vld [tilespmem:s21+$0x0]  }
0x81: {  	v1 =	vld [tilespmem:s21+$0xFFFFFFA0]  }
0x82: {  	v2 =	vld [tilespmem:s21+$0xFFFFFFB0]  }
0x83: {  	v3 =	vld [tilespmem:s21+$0xFFFFFFC0]  }
0x84: {  	v6 =	vld [tilespmem:s21+$0xFFFFFFD0]  }
0x85: {  	v9 =	vld [tilespmem:s21+$0xFFFFFFE0]  }
0x86: {  	v11 =	vld [tilespmem:s21+$0xFFFFFFF0]  }
0x87: {  	v4 =	vld [tilespmem:s21+$0xFFFFFF90];
	s21 =	simm.s32 $0x690  }
0x88: {  	v7 =	vld [tilespmem:s21+$0x0]  }
0x89: {  	v18 =	vld [tilespmem:s21+$0xFFFFFF90]  }
0x8a: {  	v19 =	vld [tilespmem:s21+$0xFFFFFFA0]  }
0x8b: {  	v20 =	vld [tilespmem:s21+$0xFFFFFFB0]  }
0x8c: {  	v21 =	vld [tilespmem:s21+$0xFFFFFFC0]  }
0x8d: {  	v22 =	vld [tilespmem:s21+$0xFFFFFFD0]  }
0x8e: {  	v23 =	vld [tilespmem:s21+$0xFFFFFFE0]  }
0x8f: {  	v24 =	vld [tilespmem:s21+$0xFFFFFFF0]  }
0x90: {  	v5 =	vld.idx.msk [tilespmem:v0+s13+$0x0], $0xffff  }
0x91: {  	v0 =	vld.idx.msk [tilespmem:v0+s14+$0x0], $0xffff  }
0x92: {  	v8 =	vld.idx.msk [tilespmem:v1+s13+$0x0], $0xffff  }
0x93: {  	v12 =	vld.idx.msk [tilespmem:v2+s13+$0x0], $0xffff  }
0x94: {  	v13 =	vld.idx.msk [tilespmem:v3+s13+$0x0], $0xffff  }
0x95: {  	v14 =	vld.idx.msk [tilespmem:v6+s13+$0x0], $0xffff  }
0x96: {  	v15 =	vld.idx.msk [tilespmem:v4+s13+$0x0], $0xffff  }
0x97: {  	v16 =	vld.idx.msk [tilespmem:v9+s13+$0x0], $0xffff  }
0x98: {  	v17 =	vld.idx.msk [tilespmem:v11+s13+$0x0], $0xffff  }
0x99: {  	v25 =	vld.idx.msk [tilespmem:v4+s14+$0x0], $0xffff  }
0x9a: {  	v10 =	vld.idx.msk [tilespmem:v1+s14+$0x0], $0xffff  }
0x9b: {  	v4 =	vld.idx.msk [tilespmem:v2+s14+$0x0], $0xffff  }
0x9c: {  	v9 =	vld.idx.msk [tilespmem:v9+s14+$0x0], $0xffff;
	v5 =	vmul.f32 v5, v7  }
0x9d: {  	v15 =	vmul.f32 v15, v18;
	v7 =	vld.idx.msk [tilespmem:v6+s14+$0x0], $0xffff  }
0x9e: {  	v8 =	vmul.f32 v8, v19;
	v6 =	vmul.f32 v13, v21;
	v0 =	vadd.f32 v0, v5;
	v5 =	vld.idx.msk [tilespmem:v3+s14+$0x0], $0xffff  }
0x9f: {  	s22 =	simm.s32 $0x1F90;
	v11 =	vld.idx.msk [tilespmem:v11+s14+$0x0], $0xffff;
	v1 =	vmul.f32 v14, v22;
	v2 =	vmul.f32 v16, v23  }
0xa0: {  	s23 =	simm.s32 $0x62;
	s24 =	simm.s32 $0x1390;
	v3 =	vmul.f32 v12, v20;
	v12 =	vadd.f32 v25, v15;
	[tilespmem:s22+$0x0] =	vst v0;
	v0 =	vmul.f32 v17, v24  }
.LBB2_6:
0xa1: {  	v13 =	vld [tilespmem:s24+$0x0];
	s23 =	sadd.s32 $0x8, s23;
	v8 =	vadd.f32 v10, v8  }
0xa2: {  	v3 =	vadd.f32 v4, v3;
	v10 =	vld [tilespmem:s24+$0xFFFFFFA0];
	p0 =	slt.u32 s23, $0xBA;
	[tilespmem:s22+$0xFFFFFF90] =	vst v12  }
0xa3: {  	v5 =	vadd.f32 v5, v6;
	v4 =	vld [tilespmem:s24+$0xFFFFFFB0];
	[tilespmem:s22+$0xFFFFFFA0] =	vst v8  }
0xa4: {  	v1 =	vadd.f32 v7, v1;
	v12 =	vld [tilespmem:s24+$0xFFFFFFC0];
	[tilespmem:s22+$0xFFFFFFB0] =	vst v3  }
0xa5: {  	v2 =	vadd.f32 v9, v2;
	v7 =	vld [tilespmem:s24+$0xFFFFFFD0];
	[tilespmem:s22+$0xFFFFFFC0] =	vst v5  }
0xa6: {  	v0 =	vadd.f32 v11, v0;
	v9 =	vld [tilespmem:s24+$0xFFFFFFE0];
	[tilespmem:s22+$0xFFFFFFD0] =	vst v1  }
0xa7: {  	v11 =	vld [tilespmem:s24+$0xFFFFFFF0];
	[tilespmem:s22+$0xFFFFFFE0] =	vst v2  }
0xa8: {  	v1 =	vld [tilespmem:s24+$0xFFFFFF90];
	[tilespmem:s22+$0xFFFFFFF0] =	vst v0  }
0xa9: {  	s21 =	sadd.s32 $0x80, s21;
	v0 =	vld.idx.msk [tilespmem:v13+s13+$0x0], $0xffff  }
0xaa: {  	v2 =	vld [tilespmem:s21+$0x0]  }
0xab: {  	v3 =	vld.idx.msk [tilespmem:v13+s14+$0x0], $0xffff  }
0xac: {  	v5 =	vld.idx.msk [tilespmem:v10+s13+$0x0], $0xffff  }
0xad: {  	v6 =	vld.idx.msk [tilespmem:v4+s13+$0x0], $0xffff  }
0xae: {  	v13 =	vld.idx.msk [tilespmem:v12+s13+$0x0], $0xffff  }
0xaf: {  	v14 =	vld.idx.msk [tilespmem:v7+s13+$0x0], $0xffff;
	v0 =	vmul.f32 v0, v2  }
0xb0: {  	v2 =	vld.idx.msk [tilespmem:v1+s13+$0x0], $0xffff  }
0xb1: {  	v15 =	vld.idx.msk [tilespmem:v9+s13+$0x0], $0xffff;
	v0 =	vadd.f32 v3, v0  }
0xb2: {  	s22 =	sadd.s32 $0x80, s22;
	v16 =	vld.idx.msk [tilespmem:v11+s13+$0x0], $0xffff  }
0xb3: {  	s25 =	simm.s32 $0x0;
	v3 =	vld [tilespmem:s21+$0xFFFFFF90];
	[tilespmem:s22+$0x0] =	vst v0  }
0xb4: {  	v0 =	vld [tilespmem:s21+$0xFFFFFFA0]  }
0xb5: {  	v17 =	vld [tilespmem:s21+$0xFFFFFFB0]  }
0xb6: {  	v18 =	vld [tilespmem:s21+$0xFFFFFFC0]  }
0xb7: {  	v19 =	vld [tilespmem:s21+$0xFFFFFFD0]  }
0xb8: {  	v20 =	vmul.f32 v2, v3;
	v2 =	vld [tilespmem:s21+$0xFFFFFFE0]  }
0xb9: {  	v8 =	vmul.f32 v5, v0;
	v0 =	vld [tilespmem:s21+$0xFFFFFFF0]  }
0xba: {  	v21 =	vld.idx.msk [tilespmem:v1+s14+$0x0], $0xffff;
	v3 =	vmul.f32 v6, v17  }
0xbb: {  	v10 =	vld.idx.msk [tilespmem:v10+s14+$0x0], $0xffff;
	v6 =	vmul.f32 v13, v18  }
.Ltmp2:
0xbc: {  	v4 =	vld.idx.msk [tilespmem:v4+s14+$0x0], $0xffff;
	v1 =	vmul.f32 v14, v19;
	(pc) =	sbr.rel @p0 .LBB2_6-.Ltmp2, $4  }
0xbd: {  	v5 =	vld.idx.msk [tilespmem:v12+s14+$0x0], $0xffff;
	v2 =	vmul.f32 v15, v2  }
0xbe: {  	v7 =	vld.idx.msk [tilespmem:v7+s14+$0x0], $0xffff;
	v0 =	vmul.f32 v16, v0  }
0xbf: {  	v9 =	vld.idx.msk [tilespmem:v9+s14+$0x0], $0xffff  }
0xc0: {  	s24 =	sadd.s32 $0x80, s24;
	v12 =	vadd.f32 v21, v20;
	v11 =	vld.idx.msk [tilespmem:v11+s14+$0x0], $0xffff  }
0xc1: {  	v8 =	vadd.f32 v10, v8  }
0xc2: {  	v3 =	vadd.f32 v4, v3;
	[tilespmem:s22+$0xFFFFFF90] =	vst v12  }
0xc3: {  	v63 =	vadd.f32 v5, v6;
	[tilespmem:s22+$0xFFFFFFA0] =	vst v8  }
0xc4: {  	[tilespmem:s22+$0xFFFFFFB0] =	vst v3;
	v1 =	vadd.f32 v7, v1  }
0xc5: {  	[tilespmem:s22+$0xFFFFFFC0] =	vst v63;
	v2 =	vadd.f32 v9, v2  }
0xc6: {  	[tilespmem:s22+$0xFFFFFFD0] =	vst v1;
	v0 =	vadd.f32 v11, v0  }
0xc7: {  	[tilespmem:s22+$0xFFFFFFE0] =	vst v2  }
0xc8: {  	[tilespmem:s22+$0xFFFFFFF0] =	vst v0  }
.LBB2_8:
0xc9: {  	s21 =	sshra.s32 s25, $0x2  }
0xca: {  	v0 =	vld [tilespmem:s21+$0x18A0];
	_ =	sdelay $0x6  }
0xcb: {  	v1 =	vld [tilespmem:s21+$0xC20]  }
0xcc: {  	v2 =	vld.idx.msk [tilespmem:v0+s13+$0x0], $0xffff;
	_ =	sdelay $0x1  }
0xcd: {  	v0 =	vld.idx.msk [tilespmem:v0+s14+$0x0], $0xffff;
	_ =	sdelay $0x1  }
0xce: {  	p0 =	sne.s32 s25, $0x40  }
.Ltmp3:
0xcf: {  	v1 =	vmul.f32 v2, v1;
	(pc) =	sbr.rel @p0 .LBB2_8-.Ltmp3, $3  }
0xd0: {  	_ = 	snop  }
0xd1: {  	v0 =	vadd.f32 v0, v1;
	_ =	sdelay $0x1  }
0xd2: {  	s25 =	sadd.s32 $0x40, s25;
	[tilespmem:s21+$0x2520] =	vst v0  }
0xd3: {  	[hbm4b:s10+s4] =	stream.linear.scatter [tilespmem:s19], [sflag:$0x1], $0x620, $0x38;
	[tilespmem:$0x2680] =	vst v63  }
0xd4: {  	s20 =	sadd.s32 $0x1, s20  }
0xd5: {  	_ =	swait.ge [sflag:s17], $0x620;
	p0 =	sne.s32 s20, s11  }
.Ltmp4:
0xd6: {  	[sflag:s17] =	ssyncset.done $0x0;
	(pc) =	sbr.rel @p0 .LBB2_1-.Ltmp4, $4  }
0xd7: {  	[sflag:s17] =	ssyncadd.s32 $0xFFFFF9E0  }
0xd8: {  	_ =	swait.ge [sflag:s17], $0x620  }
0xd9: {  	[sflag:s17] =	ssyncset.done $0x0  }
0xda: {  	[sflag:s17] =	ssyncadd.s32 $0xFFFFF9E0  }
0xdb: {  	_ =	sfence.sel $0x180000  }
0xdc: {  	[bflag:$0x0] =	sbarrier.arrive $0xFFFF  }
0xdd: {  	p0 =	sne.s32 s0, $0x0;
	_ =	strace $0x90000047  }
0xde: {  	s0 =	sadd.s32 @!p0 $0x100000, s1;
	[bflag:$0x2] =	sbarrier.arrive $0xFFFF  }
0xdf: {  	[sflag:s0] =	ssyncadd.tile.s32 @!p0 $0x1;
	_ =	shalt  }
.Lfunc_end2:
_tile_overlayer_lowered:
.L_overlay_start_2:
0xe0: {  	(tag) =	ssettag $0x2  }
0xe1: {  	s0 =	rddreg [dreg:$0x0];
	s2 =	stileid.u32  }
0xe2: {  	s1 =	rddreg [dreg:$0x1];
	p0 =	sne.s32 s2, $0x0  }
0xe3: {  	s3 =	rddreg [dreg:$0x2];
	[bflag:$0x3] =	sbarrier.arrive $0xFFFF;
	s2 =	simm.s32 @!p0 $0x1C02  }
0xe4: {  	[timem:s3], [sflag:s2] =	dma.local @!p0 [hbm:s0], s1  }
0xe5: {  	s0 =	simm.s32 @!p0 $0x2  }
0xe6: {  	_ =	swait.ge @!p0 [sflag:s0], s1  }
0xe7: {  	s1 =	ssub.s32 @!p0 $0x0, s1;
	[sflag:s0] =	ssyncset.done @!p0 $0x0  }
0xe8: {  	[sflag:s0] =	ssyncadd.s32 @!p0 s1  }
0xe9: {  	[bflag:$0x3] =	sbarrier.arrive $0xFFFF  }
0xea: {  	_ =	shalt  }

</sc_bundles>
